<compile_context>
chip_gen: v7x
topology: tpu7x:2x2x1
jax: 0.10.2.dev20260603
libtpu: 0.0.44.dev20260713+nightly
codegen_flags: <defaults>
</compile_context>

<pallas_src>
import functools

import jax
import jax.numpy as jnp
from jax import lax
from jax.experimental import pallas as pl
from jax.experimental.pallas import tpu as pltpu
from jax.experimental.pallas import tpu_sc as plsc

B = 4096
D = 128
DH = 64
OUT = 200
R = 2048
G = B // R
NCLS = 40
GENDER_N = 2
AGE_N = 7
JOB_N = 21


def _sc_gather(table, idx):
  info = plsc.get_sparse_core_info()
  nc, ns = info.num_cores, info.num_subcores
  nw = nc * ns
  b_per_w = B // nw
  mesh = plsc.VectorSubcoreMesh(core_axis_name="c", subcore_axis_name="s")

  half = b_per_w // 2

  @functools.partial(
      pl.kernel,
      mesh=mesh,
      out_type=jax.ShapeDtypeStruct((B, D), jnp.float32),
      scratch_types=[
          pltpu.VMEM((half,), jnp.int32),
          pltpu.VMEM((half,), jnp.int32),
          pltpu.VMEM((half, D), jnp.float32),
          pltpu.VMEM((half, D), jnp.float32),
          pltpu.SemaphoreType.DMA,
          pltpu.SemaphoreType.DMA,
          pltpu.SemaphoreType.DMA,
          pltpu.SemaphoreType.DMA,
      ],
  )
  def gather_kernel(table_hbm, idx_hbm, out_hbm, idx0_v, idx1_v, rows0_v,
                    rows1_v, sem0, sem1, sem2, sem3):
    wid = lax.axis_index("s") * nc + lax.axis_index("c")
    base = wid * b_per_w
    pltpu.sync_copy(idx_hbm.at[pl.ds(base, half)], idx0_v)
    pltpu.sync_copy(idx_hbm.at[pl.ds(base + half, half)], idx1_v)
    g0 = pltpu.async_copy(table_hbm.at[idx0_v], rows0_v, sem0)
    g1 = pltpu.async_copy(table_hbm.at[idx1_v], rows1_v, sem1)
    g0.wait()
    w0 = pltpu.async_copy(rows0_v, out_hbm.at[pl.ds(base, half)], sem2)
    g1.wait()
    w1 = pltpu.async_copy(rows1_v, out_hbm.at[pl.ds(base + half, half)], sem3)
    w0.wait()
    w1.wait()

  return gather_kernel(table, idx)


def _nt(a, b):
  return lax.dot_general(a, b, (((1,), (1,)), ((), ())),
                         preferred_element_type=jnp.float32)


def _tc_body(uid_rows_ref, gi_ref, ai_ref, ji_ref, g_tab_ref, a_tab_ref,
             j_tab_ref, Wu_ref, bu_ref, Wg_ref, bg_ref, Wa_ref, ba_ref,
             Wj_ref, bj_ref, WcT_ref, bc_ref, out_ref, ctrT_ref):
  f32 = jnp.float32
  i = pl.program_id(0)

  @pl.when(i == 0)
  def _():
    ctrT_ref[...] = jnp.zeros((OUT, NCLS), f32)
    gt = jnp.maximum(
        jnp.dot(g_tab_ref[...], Wg_ref[...], preferred_element_type=f32)
        + bg_ref[...], 0.0)
    at = jnp.maximum(
        jnp.dot(a_tab_ref[...], Wa_ref[...], preferred_element_type=f32)
        + ba_ref[...], 0.0)
    jt = jnp.maximum(
        jnp.dot(j_tab_ref[...], Wj_ref[...], preferred_element_type=f32)
        + bj_ref[...], 0.0)
    bcT = bc_ref[...].reshape(OUT, 1)
    ctrT_ref[:, 0:2] = _nt(WcT_ref[:, D:2 * D], gt) + bcT
    ctrT_ref[:, 8:15] = _nt(WcT_ref[:, 2 * D:3 * D], at)
    ctrT_ref[:, 16:37] = _nt(WcT_ref[:, 3 * D:4 * D], jt)

  u_fc = jnp.maximum(
      jnp.dot(uid_rows_ref[...], Wu_ref[...], preferred_element_type=f32)
      + bu_ref[...], 0.0)
  accT = _nt(WcT_ref[:, 0:D], u_fc)

  cls = lax.broadcasted_iota(jnp.int32, (R, NCLS), 1)
  gi = gi_ref[0].reshape(R, 1)
  ai = ai_ref[0].reshape(R, 1)
  ji = ji_ref[0].reshape(R, 1)
  oh = ((gi == cls) | (ai == cls - 8) | (ji == cls - 16)).astype(f32)
  accT = accT + _nt(ctrT_ref[...], oh)

  t = jnp.tanh(accT)
  ssum = jnp.sum(t * t, axis=0, keepdims=True)
  norm = jnp.maximum(jnp.sqrt(ssum), 1e-12)
  out_ref[...] = t / norm


def _full(shape):
  return pl.BlockSpec(shape, lambda i: tuple(0 for _ in shape))


def kernel(uid, user_gender, user_age, user_job, uid_table, gender_table,
           age_table, job_table, Wu, bu, Wg, bg, Wa, ba, Wj, bj, Wc, bc):
  uid_rows = _sc_gather(uid_table, jnp.asarray(uid, jnp.int32))

  gi = jnp.asarray(user_gender, jnp.int32).reshape(G, 1, R)
  ai = jnp.asarray(user_age, jnp.int32).reshape(G, 1, R)
  ji = jnp.asarray(user_job, jnp.int32).reshape(G, 1, R)

  idx_spec = pl.BlockSpec((1, 1, R), lambda i: (i, 0, 0))
  out = pl.pallas_call(
      _tc_body,
      grid=(G,),
      in_specs=[
          pl.BlockSpec((R, D), lambda i: (i, 0)),
          idx_spec,
          idx_spec,
          idx_spec,
          _full((GENDER_N, DH)),
          _full((AGE_N, DH)),
          _full((JOB_N, DH)),
          _full((D, D)),
          _full((1, D)),
          _full((DH, D)),
          _full((1, D)),
          _full((DH, D)),
          _full((1, D)),
          _full((DH, D)),
          _full((1, D)),
          _full((OUT, 4 * D)),
          _full((1, OUT)),
      ],
      out_specs=pl.BlockSpec((OUT, R), lambda i: (0, i)),
      out_shape=jax.ShapeDtypeStruct((OUT, B), jnp.float32),
      scratch_shapes=[pltpu.VMEM((OUT, NCLS), jnp.float32)],
  )(uid_rows, gi, ai, ji, gender_table, age_table, job_table,
    Wu, bu.reshape(1, D), Wg, bg.reshape(1, D), Wa, ba.reshape(1, D),
    Wj, bj.reshape(1, D), Wc.T, bc.reshape(1, OUT))
  return out.T

# --- scband reference (transcript-rebuilt; emitter-appended) ---
"""Pipeline reference for scband-user-tower-15547781611995 (READ-ONLY COPY).

The authoritative reference and input builder live on the scoring server;
editing this copy changes nothing except your own understanding.
"""

import jax, jax.numpy as jnp
import numpy as np

B = 4096
D = 128
UID_NUM = 1000000
GENDER_NUM = 2
AGE_NUM = 7
JOB_NUM = 21

def setup_inputs(seed: int = 0) -> dict:
    key = jax.random.key(seed)
    ks = jax.random.split(key, 18)
    s = 0.05
    inp = {}
    inp['uid'] = jax.random.randint(ks[0], (B,), 0, UID_NUM)
    inp['user_gender'] = jax.random.randint(ks[1], (B,), 0, GENDER_NUM)
    inp['user_age'] = jax.random.randint(ks[2], (B,), 0, AGE_NUM)
    inp['user_job'] = jax.random.randint(ks[3], (B,), 0, JOB_NUM)
    inp['uid_table'] = jax.random.normal(ks[4], (UID_NUM, D), dtype=jnp.float32) * s
    inp['gender_table'] = jax.random.normal(ks[5], (GENDER_NUM, D // 2), dtype=jnp.float32) * s
    inp['age_table'] = jax.random.normal(ks[6], (AGE_NUM, D // 2), dtype=jnp.float32) * s
    inp['job_table'] = jax.random.normal(ks[7], (JOB_NUM, D // 2), dtype=jnp.float32) * s
    inp['Wu'] = jax.random.normal(ks[8], (D, D), dtype=jnp.float32) * s
    inp['bu'] = jnp.zeros((D,), dtype=jnp.float32)
    inp['Wg'] = jax.random.normal(ks[9], (D // 2, D), dtype=jnp.float32) * s
    inp['bg'] = jnp.zeros((D,), dtype=jnp.float32)
    inp['Wa'] = jax.random.normal(ks[10], (D // 2, D), dtype=jnp.float32) * s
    inp['ba'] = jnp.zeros((D,), dtype=jnp.float32)
    inp['Wj'] = jax.random.normal(ks[11], (D // 2, D), dtype=jnp.float32) * s
    inp['bj'] = jnp.zeros((D,), dtype=jnp.float32)
    inp['Wc'] = jax.random.normal(ks[12], (4 * D, 200), dtype=jnp.float32) * s
    inp['bc'] = jnp.zeros((200,), dtype=jnp.float32)
    return inp

def reference(uid, user_gender, user_age, user_job, uid_table, gender_table, age_table, job_table, Wu, bu, Wg, bg, Wa, ba, Wj, bj, Wc, bc):
    uid_embed = jnp.take(uid_table, uid, axis=0)
    gender_embed = jnp.take(gender_table, user_gender, axis=0)
    age_embed = jnp.take(age_table, user_age, axis=0)
    job_embed = jnp.take(job_table, user_job, axis=0)
    uid_fc = jax.nn.relu(uid_embed @ Wu + bu)
    gender_fc = jax.nn.relu(gender_embed @ Wg + bg)
    age_fc = jax.nn.relu(age_embed @ Wa + ba)
    job_fc = jax.nn.relu(job_embed @ Wj + bj)
    user_combine = jnp.concatenate([uid_fc, gender_fc, age_fc, job_fc], axis=-1)
    user_output = jnp.tanh(user_combine @ Wc + bc)
    norm = jnp.maximum(jnp.linalg.norm(user_output, ord=2, axis=1, keepdims=True), 1e-12)
    return user_output / norm

if __name__ == "__main__":
    import jax
    _d = setup_inputs()
    print(jax.jit(kernel)(*tuple(_d.values())))

</pallas_src>

<mosaic_0001>
#map = affine_map<(d0, d1) -> (0, 0)>
#map1 = affine_map<(d0, d1) -> (0)>
module attributes {stable_mosaic.version = 14 : i64} {
  func.func @gather_kernel(%arg0: i32, %arg1: i32, %arg2: memref<1000000x128xf32, #tpu.memory_space<hbm>>, %arg3: memref<4096xi32, #tpu.memory_space<hbm>>, %arg4: memref<4096x128xf32, #tpu.memory_space<hbm>>, %arg5: memref<64xi32, #tpu.memory_space<vmem>>, %arg6: memref<64xi32, #tpu.memory_space<vmem>>, %arg7: memref<64x128xf32, #tpu.memory_space<vmem>>, %arg8: memref<64x128xf32, #tpu.memory_space<vmem>>, %arg9: memref<!tpu.dma_semaphore, #tpu.memory_space<semaphore_mem>>, %arg10: memref<!tpu.dma_semaphore, #tpu.memory_space<semaphore_mem>>, %arg11: memref<!tpu.dma_semaphore, #tpu.memory_space<semaphore_mem>>, %arg12: memref<!tpu.dma_semaphore, #tpu.memory_space<semaphore_mem>>) attributes {dimension_semantics = [#tpu.dimension_semantics<core_parallel>, #tpu.dimension_semantics<subcore_parallel>], iteration_bounds = array<i64: 2, 16>, scalar_prefetch = 0 : i64, scratch_operands = 8 : i64, tpu.core_type = #tpu.core_type<sc_vector_subcore>, window_params = [{transform_indices = #map}, {transform_indices = #map1}, {transform_indices = #map}]} {
    %mul3A = arith.constant 2 : i32
    %mul3A_0 = arith.muli %arg1, %mul3A : i32
    %add3A = arith.addi %mul3A_0, %arg0 : i32
    %mul3A_1 = arith.constant 128 : i32
    %mul3A_2 = arith.muli %add3A, %mul3A_1 : i32
    "tpu.region"() ({
      %run_scoped3A = tpu.sem_alloc : memref<!tpu.dma_semaphore, #tpu.memory_space<semaphore_mem>>
      %dma_start3A_33 = tpu.memref_slice %arg3[%mul3A_2] : memref<4096xi32, #tpu.memory_space<hbm>> -> memref<64xi32, #tpu.memory_space<hbm>>
      %dma_start3A_34 = tpu.memref_slice %arg3[%mul3A_2] : memref<4096xi32, #tpu.memory_space<hbm>> -> memref<64xi32, #tpu.memory_space<hbm>>
      tpu.enqueue_dma source(%dma_start3A_34 : memref<64xi32, #tpu.memory_space<hbm>>) target(%arg5 : memref<64xi32, #tpu.memory_space<vmem>>) target_semaphore(%run_scoped3A : memref<!tpu.dma_semaphore, #tpu.memory_space<semaphore_mem>>)
      %dma_wait3A_35 = tpu.memref_slice %arg3[%mul3A_2] : memref<4096xi32, #tpu.memory_space<hbm>> -> memref<64xi32, #tpu.memory_space<hbm>>
      %dma_wait3A_36 = tpu.memref_slice %arg3[%mul3A_2] : memref<4096xi32, #tpu.memory_space<hbm>> -> memref<64xi32, #tpu.memory_space<hbm>>
      tpu.wait_dma2 semaphore(%run_scoped3A : memref<!tpu.dma_semaphore, #tpu.memory_space<semaphore_mem>>) src(%dma_wait3A_36 : memref<64xi32, #tpu.memory_space<hbm>>) dst(%arg5 : memref<64xi32, #tpu.memory_space<vmem>>)
      tpu.yield
    }) : () -> ()
    %add3A_3 = arith.constant 64 : i32
    %add3A_4 = arith.addi %mul3A_2, %add3A_3 : i32
    "tpu.region"() ({
      %run_scoped3A = tpu.sem_alloc : memref<!tpu.dma_semaphore, #tpu.memory_space<semaphore_mem>>
      %dma_start3A_33 = tpu.memref_slice %arg3[%add3A_4] : memref<4096xi32, #tpu.memory_space<hbm>> -> memref<64xi32, #tpu.memory_space<hbm>>
      %dma_start3A_34 = tpu.memref_slice %arg3[%add3A_4] : memref<4096xi32, #tpu.memory_space<hbm>> -> memref<64xi32, #tpu.memory_space<hbm>>
      tpu.enqueue_dma source(%dma_start3A_34 : memref<64xi32, #tpu.memory_space<hbm>>) target(%arg6 : memref<64xi32, #tpu.memory_space<vmem>>) target_semaphore(%run_scoped3A : memref<!tpu.dma_semaphore, #tpu.memory_space<semaphore_mem>>)
      %dma_wait3A_35 = tpu.memref_slice %arg3[%add3A_4] : memref<4096xi32, #tpu.memory_space<hbm>> -> memref<64xi32, #tpu.memory_space<hbm>>
      %dma_wait3A_36 = tpu.memref_slice %arg3[%add3A_4] : memref<4096xi32, #tpu.memory_space<hbm>> -> memref<64xi32, #tpu.memory_space<hbm>>
      tpu.wait_dma2 semaphore(%run_scoped3A : memref<!tpu.dma_semaphore, #tpu.memory_space<semaphore_mem>>) src(%dma_wait3A_36 : memref<64xi32, #tpu.memory_space<hbm>>) dst(%arg6 : memref<64xi32, #tpu.memory_space<vmem>>)
      tpu.yield
    }) : () -> ()
    %dma_start3A = arith.constant 0 : i32
    %dma_start3A_5 = arith.constant 0 : i32
    %dma_start3A_6 = tpu.memref_slice %arg2[%dma_start3A, %dma_start3A_5] : memref<1000000x128xf32, #tpu.memory_space<hbm>> -> memref<1000000x128xf32, #tpu.memory_space<hbm>>
    tpu.enqueue_indirect_dma source(%dma_start3A_6 : memref<1000000x128xf32, #tpu.memory_space<hbm>>) target(%arg7 : memref<64x128xf32, #tpu.memory_space<vmem>>) offsets(%arg5 : memref<64xi32, #tpu.memory_space<vmem>>) semaphore(%arg9 : memref<!tpu.dma_semaphore, #tpu.memory_space<semaphore_mem>>)
    %dma_start3A_7 = arith.constant 0 : i32
    %dma_start3A_8 = arith.constant 0 : i32
    %dma_start3A_9 = tpu.memref_slice %arg2[%dma_start3A_7, %dma_start3A_8] : memref<1000000x128xf32, #tpu.memory_space<hbm>> -> memref<1000000x128xf32, #tpu.memory_space<hbm>>
    tpu.enqueue_indirect_dma source(%dma_start3A_9 : memref<1000000x128xf32, #tpu.memory_space<hbm>>) target(%arg8 : memref<64x128xf32, #tpu.memory_space<vmem>>) offsets(%arg6 : memref<64xi32, #tpu.memory_space<vmem>>) semaphore(%arg10 : memref<!tpu.dma_semaphore, #tpu.memory_space<semaphore_mem>>)
    %dma_wait3A = arith.constant 0 : i32
    %dma_wait3A_10 = arith.constant 0 : i32
    %dma_wait3A_11 = tpu.memref_slice %arg2[%dma_wait3A, %dma_wait3A_10] : memref<1000000x128xf32, #tpu.memory_space<hbm>> -> memref<1000000x128xf32, #tpu.memory_space<hbm>>
    tpu.wait_indirect_dma semaphore(%arg9 : memref<!tpu.dma_semaphore, #tpu.memory_space<semaphore_mem>>) src(%dma_wait3A_11 : memref<1000000x128xf32, #tpu.memory_space<hbm>>) dst(%arg7 : memref<64x128xf32, #tpu.memory_space<vmem>>)
    %dma_start3A_12 = arith.constant 0 : i32
    %dma_start3A_13 = tpu.memref_slice %arg4[%mul3A_2, %dma_start3A_12] : memref<4096x128xf32, #tpu.memory_space<hbm>> -> memref<64x128xf32, #tpu.memory_space<hbm>>
    %dma_start3A_14 = arith.constant 0 : i32
    %dma_start3A_15 = tpu.memref_slice %arg4[%mul3A_2, %dma_start3A_14] : memref<4096x128xf32, #tpu.memory_space<hbm>> -> memref<64x128xf32, #tpu.memory_space<hbm>>
    tpu.enqueue_dma source(%arg7 : memref<64x128xf32, #tpu.memory_space<vmem>>) target(%dma_start3A_15 : memref<64x128xf32, #tpu.memory_space<hbm>>) target_semaphore(%arg11 : memref<!tpu.dma_semaphore, #tpu.memory_space<semaphore_mem>>)
    %dma_wait3A_16 = arith.constant 0 : i32
    %dma_wait3A_17 = arith.constant 0 : i32
    %dma_wait3A_18 = tpu.memref_slice %arg2[%dma_wait3A_16, %dma_wait3A_17] : memref<1000000x128xf32, #tpu.memory_space<hbm>> -> memref<1000000x128xf32, #tpu.memory_space<hbm>>
    tpu.wait_indirect_dma semaphore(%arg10 : memref<!tpu.dma_semaphore, #tpu.memory_space<semaphore_mem>>) src(%dma_wait3A_18 : memref<1000000x128xf32, #tpu.memory_space<hbm>>) dst(%arg8 : memref<64x128xf32, #tpu.memory_space<vmem>>)
    %add3A_19 = arith.constant 64 : i32
    %add3A_20 = arith.addi %mul3A_2, %add3A_19 : i32
    %dma_start3A_21 = arith.constant 0 : i32
    %dma_start3A_22 = tpu.memref_slice %arg4[%add3A_20, %dma_start3A_21] : memref<4096x128xf32, #tpu.memory_space<hbm>> -> memref<64x128xf32, #tpu.memory_space<hbm>>
    %dma_start3A_23 = arith.constant 0 : i32
    %dma_start3A_24 = tpu.memref_slice %arg4[%add3A_20, %dma_start3A_23] : memref<4096x128xf32, #tpu.memory_space<hbm>> -> memref<64x128xf32, #tpu.memory_space<hbm>>
    tpu.enqueue_dma source(%arg8 : memref<64x128xf32, #tpu.memory_space<vmem>>) target(%dma_start3A_24 : memref<64x128xf32, #tpu.memory_space<hbm>>) target_semaphore(%arg12 : memref<!tpu.dma_semaphore, #tpu.memory_space<semaphore_mem>>)
    %dma_wait3A_25 = arith.constant 0 : i32
    %dma_wait3A_26 = tpu.memref_slice %arg4[%mul3A_2, %dma_wait3A_25] : memref<4096x128xf32, #tpu.memory_space<hbm>> -> memref<64x128xf32, #tpu.memory_space<hbm>>
    %dma_wait3A_27 = arith.constant 0 : i32
    %dma_wait3A_28 = tpu.memref_slice %arg4[%mul3A_2, %dma_wait3A_27] : memref<4096x128xf32, #tpu.memory_space<hbm>> -> memref<64x128xf32, #tpu.memory_space<hbm>>
    tpu.wait_dma2 semaphore(%arg11 : memref<!tpu.dma_semaphore, #tpu.memory_space<semaphore_mem>>) src(%arg7 : memref<64x128xf32, #tpu.memory_space<vmem>>) dst(%dma_wait3A_28 : memref<64x128xf32, #tpu.memory_space<hbm>>)
    %dma_wait3A_29 = arith.constant 0 : i32
    %dma_wait3A_30 = tpu.memref_slice %arg4[%add3A_20, %dma_wait3A_29] : memref<4096x128xf32, #tpu.memory_space<hbm>> -> memref<64x128xf32, #tpu.memory_space<hbm>>
    %dma_wait3A_31 = arith.constant 0 : i32
    %dma_wait3A_32 = tpu.memref_slice %arg4[%add3A_20, %dma_wait3A_31] : memref<4096x128xf32, #tpu.memory_space<hbm>> -> memref<64x128xf32, #tpu.memory_space<hbm>>
    tpu.wait_dma2 semaphore(%arg12 : memref<!tpu.dma_semaphore, #tpu.memory_space<semaphore_mem>>) src(%arg8 : memref<64x128xf32, #tpu.memory_space<vmem>>) dst(%dma_wait3A_32 : memref<64x128xf32, #tpu.memory_space<hbm>>)
    return
  }
}

module attributes {stable_mosaic.version = 14 : i64} {
  func.func @_tc_body(%arg0: i32, %arg1: memref<2048x128xf32, #tpu.memory_space<vmem>>, %arg2: memref<1x1x2048xi32, #tpu.memory_space<vmem>>, %arg3: memref<1x1x2048xi32, #tpu.memory_space<vmem>>, %arg4: memref<1x1x2048xi32, #tpu.memory_space<vmem>>, %arg5: memref<2x64xf32, #tpu.memory_space<vmem>>, %arg6: memref<7x64xf32, #tpu.memory_space<vmem>>, %arg7: memref<21x64xf32, #tpu.memory_space<vmem>>, %arg8: memref<128x128xf32, #tpu.memory_space<vmem>>, %arg9: memref<1x128xf32, #tpu.memory_space<vmem>>, %arg10: memref<64x128xf32, #tpu.memory_space<vmem>>, %arg11: memref<1x128xf32, #tpu.memory_space<vmem>>, %arg12: memref<64x128xf32, #tpu.memory_space<vmem>>, %arg13: memref<1x128xf32, #tpu.memory_space<vmem>>, %arg14: memref<64x128xf32, #tpu.memory_space<vmem>>, %arg15: memref<1x128xf32, #tpu.memory_space<vmem>>, %arg16: memref<200x512xf32, #tpu.memory_space<vmem>>, %arg17: memref<1x200xf32, #tpu.memory_space<vmem>>, %arg18: memref<200x2048xf32, #tpu.memory_space<vmem>>, %arg19: memref<200x40xf32, #tpu.memory_space<vmem>>) attributes {dimension_semantics = [#tpu.dimension_semantics<arbitrary>], iteration_bounds = array<i64: 2>, scalar_prefetch = 0 : i64, scratch_operands = 1 : i64, tpu.core_type = #tpu.core_type<tc>, window_params = [{transform_indices = @transform_0, window_bounds = array<i64: 2048, 128>}, {transform_indices = @transform_1, window_bounds = array<i64: 1, 1, 2048>}, {transform_indices = @transform_2, window_bounds = array<i64: 1, 1, 2048>}, {transform_indices = @transform_3, window_bounds = array<i64: 1, 1, 2048>}, {pipeline_mode = #tpu.pipeline_mode<synchronous>, transform_indices = @transform_4, window_bounds = array<i64: 2, 64>}, {pipeline_mode = #tpu.pipeline_mode<synchronous>, transform_indices = @transform_5, window_bounds = array<i64: 7, 64>}, {pipeline_mode = #tpu.pipeline_mode<synchronous>, transform_indices = @transform_6, window_bounds = array<i64: 21, 64>}, {pipeline_mode = #tpu.pipeline_mode<synchronous>, transform_indices = @transform_7, window_bounds = array<i64: 128, 128>}, {pipeline_mode = #tpu.pipeline_mode<synchronous>, transform_indices = @transform_8, window_bounds = array<i64: 1, 128>}, {pipeline_mode = #tpu.pipeline_mode<synchronous>, transform_indices = @transform_9, window_bounds = array<i64: 64, 128>}, {pipeline_mode = #tpu.pipeline_mode<synchronous>, transform_indices = @transform_10, window_bounds = array<i64: 1, 128>}, {pipeline_mode = #tpu.pipeline_mode<synchronous>, transform_indices = @transform_11, window_bounds = array<i64: 64, 128>}, {pipeline_mode = #tpu.pipeline_mode<synchronous>, transform_indices = @transform_12, window_bounds = array<i64: 1, 128>}, {pipeline_mode = #tpu.pipeline_mode<synchronous>, transform_indices = @transform_13, window_bounds = array<i64: 64, 128>}, {pipeline_mode = #tpu.pipeline_mode<synchronous>, transform_indices = @transform_14, window_bounds = array<i64: 1, 128>}, {pipeline_mode = #tpu.pipeline_mode<synchronous>, transform_indices = @transform_15, window_bounds = array<i64: 200, 512>}, {pipeline_mode = #tpu.pipeline_mode<synchronous>, transform_indices = @transform_16, window_bounds = array<i64: 1, 200>}, {transform_indices = @transform_17, window_bounds = array<i64: 200, 2048>}]} {
    %eq3A = arith.constant 0 : i32
    %eq3A_0 = arith.cmpi eq, %arg0, %eq3A : i32
    %convert_element_type3A = arith.extui %eq3A_0 : i1 to i32
    %cond3A = arith.constant 0 : i32
    %cond3A_1 = arith.cmpi ne, %convert_element_type3A, %cond3A : i32
    scf.if %cond3A_1 {
      %broadcast_in_dim3A_63 = arith.constant 0.000000e+00 : f32
      %broadcast_in_dim3A_64 = vector.broadcast %broadcast_in_dim3A_63 : f32 to vector<200x40xf32>
      %swap3A_65 = arith.constant 0 : index
      %swap3A_66 = arith.constant 0 : index
      %swap3A_67 = vector.load %arg19[%swap3A_65, %swap3A_66] : memref<200x40xf32, #tpu.memory_space<vmem>>, vector<200x40xf32>
      tpu.vector_store %arg19[%swap3A_65, %swap3A_66], %broadcast_in_dim3A_64 {strides = array<i32>} : memref<200x40xf32, #tpu.memory_space<vmem>>, vector<200x40xf32>,
      %get3A_68 = arith.constant 0 : index
      %get3A_69 = arith.constant 0 : index
      %get3A_70 = vector.load %arg5[%get3A_68, %get3A_69] : memref<2x64xf32, #tpu.memory_space<vmem>>, vector<2x64xf32>
      %get3A_71 = arith.constant 0 : index
      %get3A_72 = arith.constant 0 : index
      %get3A_73 = vector.load %arg10[%get3A_71, %get3A_72] : memref<64x128xf32, #tpu.memory_space<vmem>>, vector<64x128xf32>
      %dot_general3A_74 = arith.constant dense<0.000000e+00> : vector<2x128xf32>
      %dot_general3A_75 = tpu.matmul %get3A_70, %get3A_73, %dot_general3A_74 {dimension_numbers = #tpu.dot_dimension_numbers<[1], [0], [0], [1], [0, 0, 1, 1], [], []>, transpose_lhs_hint = false} : vector<2x64xf32>, vector<64x128xf32>, vector<2x128xf32> -> vector<2x128xf32>
      %get3A_76 = arith.constant 0 : index
      %get3A_77 = arith.constant 0 : index
      %get3A_78 = vector.load %arg11[%get3A_76, %get3A_77] : memref<1x128xf32, #tpu.memory_space<vmem>>, vector<1x128xf32>
      %add3A_79 = vector.broadcast %get3A_78 : vector<1x128xf32> to vector<2x128xf32>
      %add3A_80 = arith.addf %dot_general3A_75, %add3A_79 : vector<2x128xf32>
      %max3A_81 = arith.constant 0.000000e+00 : f32
      %max3A_82 = vector.broadcast %max3A_81 : f32 to vector<2x128xf32>
      %max3A_83 = arith.maximumf %add3A_80, %max3A_82 : vector<2x128xf32>
      %get3A_84 = arith.constant 0 : index
      %get3A_85 = arith.constant 0 : index
      %get3A_86 = vector.load %arg6[%get3A_84, %get3A_85] : memref<7x64xf32, #tpu.memory_space<vmem>>, vector<7x64xf32>
      %get3A_87 = arith.constant 0 : index
      %get3A_88 = arith.constant 0 : index
      %get3A_89 = vector.load %arg12[%get3A_87, %get3A_88] : memref<64x128xf32, #tpu.memory_space<vmem>>, vector<64x128xf32>
      %dot_general3A_90 = arith.constant dense<0.000000e+00> : vector<7x128xf32>
      %dot_general3A_91 = tpu.matmul %get3A_86, %get3A_89, %dot_general3A_90 {dimension_numbers = #tpu.dot_dimension_numbers<[1], [0], [0], [1], [0, 0, 1, 1], [], []>, transpose_lhs_hint = false} : vector<7x64xf32>, vector<64x128xf32>, vector<7x128xf32> -> vector<7x128xf32>
      %get3A_92 = arith.constant 0 : index
      %get3A_93 = arith.constant 0 : index
      %get3A_94 = vector.load %arg13[%get3A_92, %get3A_93] : memref<1x128xf32, #tpu.memory_space<vmem>>, vector<1x128xf32>
      %add3A_95 = vector.broadcast %get3A_94 : vector<1x128xf32> to vector<7x128xf32>
      %add3A_96 = arith.addf %dot_general3A_91, %add3A_95 : vector<7x128xf32>
      %max3A_97 = arith.constant 0.000000e+00 : f32
      %max3A_98 = vector.broadcast %max3A_97 : f32 to vector<7x128xf32>
      %max3A_99 = arith.maximumf %add3A_96, %max3A_98 : vector<7x128xf32>
      %get3A_100 = arith.constant 0 : index
      %get3A_101 = arith.constant 0 : index
      %get3A_102 = vector.load %arg7[%get3A_100, %get3A_101] : memref<21x64xf32, #tpu.memory_space<vmem>>, vector<21x64xf32>
      %get3A_103 = arith.constant 0 : index
      %get3A_104 = arith.constant 0 : index
      %get3A_105 = vector.load %arg14[%get3A_103, %get3A_104] : memref<64x128xf32, #tpu.memory_space<vmem>>, vector<64x128xf32>
      %dot_general3A_106 = arith.constant dense<0.000000e+00> : vector<21x128xf32>
      %dot_general3A_107 = tpu.matmul %get3A_102, %get3A_105, %dot_general3A_106 {dimension_numbers = #tpu.dot_dimension_numbers<[1], [0], [0], [1], [0, 0, 1, 1], [], []>, transpose_lhs_hint = false} : vector<21x64xf32>, vector<64x128xf32>, vector<21x128xf32> -> vector<21x128xf32>
      %get3A_108 = arith.constant 0 : index
      %get3A_109 = arith.constant 0 : index
      %get3A_110 = vector.load %arg15[%get3A_108, %get3A_109] : memref<1x128xf32, #tpu.memory_space<vmem>>, vector<1x128xf32>
      %add3A_111 = vector.broadcast %get3A_110 : vector<1x128xf32> to vector<21x128xf32>
      %add3A_112 = arith.addf %dot_general3A_107, %add3A_111 : vector<21x128xf32>
      %max3A_113 = arith.constant 0.000000e+00 : f32
      %max3A_114 = vector.broadcast %max3A_113 : f32 to vector<21x128xf32>
      %max3A_115 = arith.maximumf %add3A_112, %max3A_114 : vector<21x128xf32>
      %get3A_116 = arith.constant 0 : index
      %get3A_117 = arith.constant 0 : index
      %get3A_118 = vector.load %arg17[%get3A_116, %get3A_117] : memref<1x200xf32, #tpu.memory_space<vmem>>, vector<1x200xf32>
      %reshape3A_119 = vector.shape_cast %get3A_118 : vector<1x200xf32> to vector<200x1xf32>
      %get3A_120 = arith.constant 0 : index
      %get3A_121 = arith.constant 128 : index
      %get3A_122 = vector.load %arg16[%get3A_120, %get3A_121] : memref<200x512xf32, #tpu.memory_space<vmem>>, vector<200x128xf32>
      %dot_general3A_123 = arith.constant dense<0.000000e+00> : vector<200x2xf32>
      %dot_general3A_124 = tpu.matmul %get3A_122, %max3A_83, %dot_general3A_123 {dimension_numbers = #tpu.dot_dimension_numbers<[1], [1], [0], [0], [0, 0, 1, 0], [], []>, transpose_lhs_hint = false} : vector<200x128xf32>, vector<2x128xf32>, vector<200x2xf32> -> vector<200x2xf32>
      %add3A_125 = vector.broadcast %reshape3A_119 : vector<200x1xf32> to vector<200x2xf32>
      %add3A_126 = arith.addf %dot_general3A_124, %add3A_125 : vector<200x2xf32>
      %swap3A_127 = arith.constant 0 : index
      %swap3A_128 = arith.constant 0 : index
      %swap3A_129 = vector.load %arg19[%swap3A_127, %swap3A_128] : memref<200x40xf32, #tpu.memory_space<vmem>>, vector<200x2xf32>
      tpu.vector_store %arg19[%swap3A_127, %swap3A_128], %add3A_126 {strides = array<i32>} : memref<200x40xf32, #tpu.memory_space<vmem>>, vector<200x2xf32>,
      %get3A_130 = arith.constant 0 : index
      %get3A_131 = arith.constant 256 : index
      %get3A_132 = vector.load %arg16[%get3A_130, %get3A_131] : memref<200x512xf32, #tpu.memory_space<vmem>>, vector<200x128xf32>
      %dot_general3A_133 = arith.constant dense<0.000000e+00> : vector<200x7xf32>
      %dot_general3A_134 = tpu.matmul %get3A_132, %max3A_99, %dot_general3A_133 {dimension_numbers = #tpu.dot_dimension_numbers<[1], [1], [0], [0], [0, 0, 1, 0], [], []>, transpose_lhs_hint = false} : vector<200x128xf32>, vector<7x128xf32>, vector<200x7xf32> -> vector<200x7xf32>
      %swap3A_135 = arith.constant 0 : index
      %swap3A_136 = arith.constant 8 : index
      %swap3A_137 = vector.load %arg19[%swap3A_135, %swap3A_136] : memref<200x40xf32, #tpu.memory_space<vmem>>, vector<200x7xf32>
      tpu.vector_store %arg19[%swap3A_135, %swap3A_136], %dot_general3A_134 {strides = array<i32>} : memref<200x40xf32, #tpu.memory_space<vmem>>, vector<200x7xf32>,
      %get3A_138 = arith.constant 0 : index
      %get3A_139 = arith.constant 384 : index
      %get3A_140 = vector.load %arg16[%get3A_138, %get3A_139] : memref<200x512xf32, #tpu.memory_space<vmem>>, vector<200x128xf32>
      %dot_general3A_141 = arith.constant dense<0.000000e+00> : vector<200x21xf32>
      %dot_general3A_142 = tpu.matmul %get3A_140, %max3A_115, %dot_general3A_141 {dimension_numbers = #tpu.dot_dimension_numbers<[1], [1], [0], [0], [0, 0, 1, 0], [], []>, transpose_lhs_hint = false} : vector<200x128xf32>, vector<21x128xf32>, vector<200x21xf32> -> vector<200x21xf32>
      %swap3A_143 = arith.constant 0 : index
      %swap3A_144 = arith.constant 16 : index
      %swap3A_145 = vector.load %arg19[%swap3A_143, %swap3A_144] : memref<200x40xf32, #tpu.memory_space<vmem>>, vector<200x21xf32>
      tpu.vector_store %arg19[%swap3A_143, %swap3A_144], %dot_general3A_142 {strides = array<i32>} : memref<200x40xf32, #tpu.memory_space<vmem>>, vector<200x21xf32>,
    } else {
    }
    %get3A = arith.constant 0 : index
    %get3A_2 = arith.constant 0 : index
    %get3A_3 = vector.load %arg1[%get3A, %get3A_2] : memref<2048x128xf32, #tpu.memory_space<vmem>>, vector<2048x128xf32>
    %get3A_4 = arith.constant 0 : index
    %get3A_5 = arith.constant 0 : index
    %get3A_6 = vector.load %arg8[%get3A_4, %get3A_5] : memref<128x128xf32, #tpu.memory_space<vmem>>, vector<128x128xf32>
    %dot_general3A = arith.constant dense<0.000000e+00> : vector<2048x128xf32>
    %dot_general3A_7 = tpu.matmul %get3A_3, %get3A_6, %dot_general3A {dimension_numbers = #tpu.dot_dimension_numbers<[1], [0], [0], [1], [0, 0, 1, 1], [], []>, transpose_lhs_hint = false} : vector<2048x128xf32>, vector<128x128xf32>, vector<2048x128xf32> -> vector<2048x128xf32>
    %get3A_8 = arith.constant 0 : index
    %get3A_9 = arith.constant 0 : index
    %get3A_10 = vector.load %arg9[%get3A_8, %get3A_9] : memref<1x128xf32, #tpu.memory_space<vmem>>, vector<1x128xf32>
    %add3A = vector.broadcast %get3A_10 : vector<1x128xf32> to vector<2048x128xf32>
    %add3A_11 = arith.addf %dot_general3A_7, %add3A : vector<2048x128xf32>
    %max3A = arith.constant 0.000000e+00 : f32
    %max3A_12 = vector.broadcast %max3A : f32 to vector<2048x128xf32>
    %max3A_13 = arith.maximumf %add3A_11, %max3A_12 : vector<2048x128xf32>
    %get3A_14 = arith.constant 0 : index
    %get3A_15 = arith.constant 0 : index
    %get3A_16 = vector.load %arg16[%get3A_14, %get3A_15] : memref<200x512xf32, #tpu.memory_space<vmem>>, vector<200x128xf32>
    %dot_general3A_17 = arith.constant dense<0.000000e+00> : vector<200x2048xf32>
    %dot_general3A_18 = tpu.matmul %get3A_16, %max3A_13, %dot_general3A_17 {dimension_numbers = #tpu.dot_dimension_numbers<[1], [1], [0], [0], [0, 0, 1, 0], [], []>, transpose_lhs_hint = false} : vector<200x128xf32>, vector<2048x128xf32>, vector<200x2048xf32> -> vector<200x2048xf32>
    %iota3A = tpu.iota {dimensions = array<i32: 1>} : vector<2048x40xi32>
    %get3A_19 = arith.constant 0 : index
    %get3A_20 = arith.constant 0 : index
    %get3A_21 = arith.constant 0 : index
    %get3A_22 = vector.load %arg2[%get3A_19, %get3A_20, %get3A_21] : memref<1x1x2048xi32, #tpu.memory_space<vmem>>, vector<1x1x2048xi32>
    %get3A_23 = vector.shape_cast %get3A_22 : vector<1x1x2048xi32> to vector<1x2048xi32>
    %reshape3A = vector.shape_cast %get3A_23 : vector<1x2048xi32> to vector<2048x1xi32>
    %get3A_24 = arith.constant 0 : index
    %get3A_25 = arith.constant 0 : index
    %get3A_26 = arith.constant 0 : index
    %get3A_27 = vector.load %arg3[%get3A_24, %get3A_25, %get3A_26] : memref<1x1x2048xi32, #tpu.memory_space<vmem>>, vector<1x1x2048xi32>
    %get3A_28 = vector.shape_cast %get3A_27 : vector<1x1x2048xi32> to vector<1x2048xi32>
    %reshape3A_29 = vector.shape_cast %get3A_28 : vector<1x2048xi32> to vector<2048x1xi32>
    %get3A_30 = arith.constant 0 : index
    %get3A_31 = arith.constant 0 : index
    %get3A_32 = arith.constant 0 : index
    %get3A_33 = vector.load %arg4[%get3A_30, %get3A_31, %get3A_32] : memref<1x1x2048xi32, #tpu.memory_space<vmem>>, vector<1x1x2048xi32>
    %get3A_34 = vector.shape_cast %get3A_33 : vector<1x1x2048xi32> to vector<1x2048xi32>
    %reshape3A_35 = vector.shape_cast %get3A_34 : vector<1x2048xi32> to vector<2048x1xi32>
    %eq3A_36 = vector.broadcast %reshape3A : vector<2048x1xi32> to vector<2048x40xi32>
    %eq3A_37 = arith.cmpi eq, %eq3A_36, %iota3A : vector<2048x40xi32>
    %sub3A = arith.constant 8 : i32
    %sub3A_38 = vector.broadcast %sub3A : i32 to vector<2048x40xi32>
    %sub3A_39 = arith.subi %iota3A, %sub3A_38 : vector<2048x40xi32>
    %eq3A_40 = vector.broadcast %reshape3A_29 : vector<2048x1xi32> to vector<2048x40xi32>
    %eq3A_41 = arith.cmpi eq, %eq3A_40, %sub3A_39 : vector<2048x40xi32>
    %or3A = arith.ori %eq3A_37, %eq3A_41 : vector<2048x40xi1>
    %sub3A_42 = arith.constant 16 : i32
    %sub3A_43 = vector.broadcast %sub3A_42 : i32 to vector<2048x40xi32>
    %sub3A_44 = arith.subi %iota3A, %sub3A_43 : vector<2048x40xi32>
    %eq3A_45 = vector.broadcast %reshape3A_35 : vector<2048x1xi32> to vector<2048x40xi32>
    %eq3A_46 = arith.cmpi eq, %eq3A_45, %sub3A_44 : vector<2048x40xi32>
    %or3A_47 = arith.ori %or3A, %eq3A_46 : vector<2048x40xi1>
    %convert_element_type3A_48 = arith.extui %or3A_47 : vector<2048x40xi1> to vector<2048x40xi32>
    %convert_element_type3A_49 = arith.sitofp %convert_element_type3A_48 : vector<2048x40xi32> to vector<2048x40xf32>
    %get3A_50 = arith.constant 0 : index
    %get3A_51 = arith.constant 0 : index
    %get3A_52 = vector.load %arg19[%get3A_50, %get3A_51] : memref<200x40xf32, #tpu.memory_space<vmem>>, vector<200x40xf32>
    %dot_general3A_53 = arith.constant dense<0.000000e+00> : vector<200x2048xf32>
    %dot_general3A_54 = tpu.matmul %get3A_52, %convert_element_type3A_49, %dot_general3A_53 {dimension_numbers = #tpu.dot_dimension_numbers<[1], [1], [0], [0], [0, 0, 1, 0], [], []>, transpose_lhs_hint = false} : vector<200x40xf32>, vector<2048x40xf32>, vector<200x2048xf32> -> vector<200x2048xf32>
    %add3A_55 = arith.addf %dot_general3A_18, %dot_general3A_54 : vector<200x2048xf32>
    %tanh3A = math.tanh %add3A_55 : vector<200x2048xf32>
    %mul3A = arith.mulf %tanh3A, %tanh3A : vector<200x2048xf32>
    %reduce_sum3A = arith.constant dense<0.000000e+00> : vector<2048xf32>
    %reduce_sum3A_56 = vector.multi_reduction <add>, %mul3A, %reduce_sum3A [0] : vector<200x2048xf32> to vector<2048xf32>
    %broadcast_in_dim3A = vector.shape_cast %reduce_sum3A_56 : vector<2048xf32> to vector<1x2048xf32>
    %sqrt3A = math.sqrt %broadcast_in_dim3A : vector<1x2048xf32>
    %max3A_57 = arith.constant 9.99999996E-13 : f32
    %max3A_58 = vector.broadcast %max3A_57 : f32 to vector<1x2048xf32>
    %max3A_59 = arith.maximumf %sqrt3A, %max3A_58 : vector<1x2048xf32>
    %div3A = vector.broadcast %max3A_59 : vector<1x2048xf32> to vector<200x2048xf32>
    %div3A_60 = arith.divf %tanh3A, %div3A : vector<200x2048xf32>
    %swap3A = arith.constant 0 : index
    %swap3A_61 = arith.constant 0 : index
    %swap3A_62 = vector.load %arg18[%swap3A, %swap3A_61] : memref<200x2048xf32, #tpu.memory_space<vmem>>, vector<200x2048xf32>
    tpu.vector_store %arg18[%swap3A, %swap3A_61], %div3A_60 {strides = array<i32>} : memref<200x2048xf32, #tpu.memory_space<vmem>>, vector<200x2048xf32>,
    return
  }
  func.func @transform_0(%arg0: i32) -> (i32, i32) {
    %c0_i32 = arith.constant 0 : i32
    %c0_i32_0 = arith.constant 0 : i32
    return %arg0, %c0_i32 : i32, i32
  }
  func.func @transform_1(%arg0: i32) -> (i32, i32, i32) {
    %c0_i32 = arith.constant 0 : i32
    %c0_i32_0 = arith.constant 0 : i32
    %c0_i32_1 = arith.constant 0 : i32
    return %arg0, %c0_i32, %c0_i32_0 : i32, i32, i32
  }
  func.func @transform_2(%arg0: i32) -> (i32, i32, i32) {
    %c0_i32 = arith.constant 0 : i32
    %c0_i32_0 = arith.constant 0 : i32
    %c0_i32_1 = arith.constant 0 : i32
    return %arg0, %c0_i32, %c0_i32_0 : i32, i32, i32
  }
  func.func @transform_3(%arg0: i32) -> (i32, i32, i32) {
    %c0_i32 = arith.constant 0 : i32
    %c0_i32_0 = arith.constant 0 : i32
    %c0_i32_1 = arith.constant 0 : i32
    return %arg0, %c0_i32, %c0_i32_0 : i32, i32, i32
  }
  func.func @transform_4(%arg0: i32) -> (i32, i32) {
    %c0_i32 = arith.constant 0 : i32
    %c0_i32_0 = arith.constant 0 : i32
    %c0_i32_1 = arith.constant 0 : i32
    return %c0_i32, %c0_i32_0 : i32, i32
  }
  func.func @transform_5(%arg0: i32) -> (i32, i32) {
    %c0_i32 = arith.constant 0 : i32
    %c0_i32_0 = arith.constant 0 : i32
    %c0_i32_1 = arith.constant 0 : i32
    return %c0_i32, %c0_i32_0 : i32, i32
  }
  func.func @transform_6(%arg0: i32) -> (i32, i32) {
    %c0_i32 = arith.constant 0 : i32
    %c0_i32_0 = arith.constant 0 : i32
    %c0_i32_1 = arith.constant 0 : i32
    return %c0_i32, %c0_i32_0 : i32, i32
  }
  func.func @transform_7(%arg0: i32) -> (i32, i32) {
    %c0_i32 = arith.constant 0 : i32
    %c0_i32_0 = arith.constant 0 : i32
    %c0_i32_1 = arith.constant 0 : i32
    return %c0_i32, %c0_i32_0 : i32, i32
  }
  func.func @transform_8(%arg0: i32) -> (i32, i32) {
    %c0_i32 = arith.constant 0 : i32
    %c0_i32_0 = arith.constant 0 : i32
    %c0_i32_1 = arith.constant 0 : i32
    return %c0_i32, %c0_i32_0 : i32, i32
  }
  func.func @transform_9(%arg0: i32) -> (i32, i32) {
    %c0_i32 = arith.constant 0 : i32
    %c0_i32_0 = arith.constant 0 : i32
    %c0_i32_1 = arith.constant 0 : i32
    return %c0_i32, %c0_i32_0 : i32, i32
  }
  func.func @transform_10(%arg0: i32) -> (i32, i32) {
    %c0_i32 = arith.constant 0 : i32
    %c0_i32_0 = arith.constant 0 : i32
    %c0_i32_1 = arith.constant 0 : i32
    return %c0_i32, %c0_i32_0 : i32, i32
  }
  func.func @transform_11(%arg0: i32) -> (i32, i32) {
    %c0_i32 = arith.constant 0 : i32
    %c0_i32_0 = arith.constant 0 : i32
    %c0_i32_1 = arith.constant 0 : i32
    return %c0_i32, %c0_i32_0 : i32, i32
  }
  func.func @transform_12(%arg0: i32) -> (i32, i32) {
    %c0_i32 = arith.constant 0 : i32
    %c0_i32_0 = arith.constant 0 : i32
    %c0_i32_1 = arith.constant 0 : i32
    return %c0_i32, %c0_i32_0 : i32, i32
  }
  func.func @transform_13(%arg0: i32) -> (i32, i32) {
    %c0_i32 = arith.constant 0 : i32
    %c0_i32_0 = arith.constant 0 : i32
    %c0_i32_1 = arith.constant 0 : i32
    return %c0_i32, %c0_i32_0 : i32, i32
  }
  func.func @transform_14(%arg0: i32) -> (i32, i32) {
    %c0_i32 = arith.constant 0 : i32
    %c0_i32_0 = arith.constant 0 : i32
    %c0_i32_1 = arith.constant 0 : i32
    return %c0_i32, %c0_i32_0 : i32, i32
  }
  func.func @transform_15(%arg0: i32) -> (i32, i32) {
    %c0_i32 = arith.constant 0 : i32
    %c0_i32_0 = arith.constant 0 : i32
    %c0_i32_1 = arith.constant 0 : i32
    return %c0_i32, %c0_i32_0 : i32, i32
  }
  func.func @transform_16(%arg0: i32) -> (i32, i32) {
    %c0_i32 = arith.constant 0 : i32
    %c0_i32_0 = arith.constant 0 : i32
    %c0_i32_1 = arith.constant 0 : i32
    return %c0_i32, %c0_i32_0 : i32, i32
  }
  func.func @transform_17(%arg0: i32) -> (i32, i32) {
    %c0_i32 = arith.constant 0 : i32
    %c0_i32_0 = arith.constant 0 : i32
    return %c0_i32, %arg0 : i32, i32
  }
}

</mosaic_0001>

<sc_bundles>
// kernel: kernel.4.cloned.1.call-start
scs
__scs_entry_jumppad:
0x0: {  	(pc) =	sbr.rel $0x88, $3  }
0x1: {  	(tag) =	ssettag $0x0;
	lr =	simm.s32 $0x1  }
0x2: {  	[smem:$0x3F8F] =	sst lr;
	_ =	strace $0xD0000000  }
0x3: {  	_ = 	snop  }
0x4: {  	_ = 	snop  }
0x5: {  	_ = 	snop  }
0x6: {  	_ = 	snop  }
0x7: {  	_ = 	snop  }
__scs_overlays_trampoline_lowered:
0x8: {  	[smem:$0x3F9E] =	sst s0  }
0x9: {  	[smem:$0x3F9F] =	sst s1  }
0xa: {  	[smem:$0x3FA0] =	sst s2  }
0xb: {  	[smem:$0x3FA1] =	sst s3  }
0xc: {  	[smem:$0x3FA2] =	sst s4  }
0xd: {  	[smem:$0x3FA3] =	sst s5  }
0xe: {  	[smem:$0x3FA4] =	sst s6  }
0xf: {  	[smem:$0x3FA5] =	sst s7  }
0x10: {  	[smem:$0x3FA6] =	sst s8  }
0x11: {  	[smem:$0x3FA7] =	sst s9;
	s0 =	simm.s32 @!p0 $0x0  }
0x12: {  	s1 =	sld [smem:$0x3F8D];
	s0 =	simm.s32 @p0 $0x1  }
0x13: {  	[smem:$0x3FA8] =	sst s0;
	s0 =	simm.s32 @!p1 $0x0  }
0x14: {  	s2 =	sld [smem:$0x3F8C];
	s0 =	simm.s32 @p1 $0x1  }
0x15: {  	[smem:$0x3FA9] =	sst s0;
	s0 =	simm.s32 @!p2 $0x0  }
0x16: {  	s3 =	sld [smem:$0x3FDB];
	s0 =	simm.s32 @p2 $0x1  }
0x17: {  	s4 =	simm.s32 $0x1BF5;
	[smem:$0x3FAB] =	sst s0  }
0x18: {  	s0 =	sld [smem:$0x3F8E];
	_ =	swait.ge [sflag:s4], $0x0  }
0x19: {  	s7 =	sld [smem:$0x3F8F]  }
0x1a: {  	s8 =	sadd.s32 $0xFFFFE003, lr  }
0x1b: {  	s9 =	sadd.s32 $0xFFFFFEF7, lr;
	s5 =	simm.s32 $0xFFFFFFFF;
	p2 =	slt.u32 s8, $0xFFFFF086  }
0x1c: {  	p1 =	slt.u32 s9, $0xF7A;
	s5 =	simm.s32 @!p2 $0x0  }
0x1d: {  	s5 =	simm.s32 @p1 $0x1;
	p0 =	seq.s32 s7, s2  }
0x1e: {  	s7 =	smul.u32 @!p0 $0xF7A, s2;
	p2 =	seq.s32 @!p0 s5, $0x0  }
0x1f: {  	s9 =	smul.u32 $0xF7A, s1;
	s8 =	simm.s32 @!p0 $0x1BF5;
	p2 =	por !p2, p0  }
0x20: {  	[sflag:s8] =	ssyncset.s32 @!p0 $0xFFFFF086;
	s6 =	sadd.s32 @!p0 s3, s7;
	s7 =	simm.s32 @!p0 $0x108  }
0x21: {  	s3 =	sadd.s32 s3, s9;
	s6 =	sadd.s32 @!p0 $0x88, s6;
	s7 =	simm.s32 @p2 $0x1082  }
0x22: {  	[simem:s7], [sflag:s8] =	dma.local @!p0 [hbm:s6], $0xF7A  }
0x23: {  	s9 =	sor.u32 $0xD0000000, s2;
	s6 =	simm.s32 $0x108;
	_ =	swait.ge @!p0 [sflag:s8], $0x0  }
0x24: {  	s3 =	sadd.s32 $0x88, s3;
	s6 =	simm.s32 @!p1 $0x1082;
	[sflag:s4] =	ssyncset.s32 $0xFFFFF086  }
0x25: {  	[simem:s6], [sflag:s4] =	dma.local [hbm:s3], $0xF7A  }
0x26: {  	[smem:$0x3F8F] =	sst s1;
	(tag) =	ssettag s2;
	_ =	strace s9  }
0x27: {  	s1 =	sld [smem:$0x3F9F]  }
0x28: {  	s2 =	sld [smem:$0x3FA0]  }
0x29: {  	s4 =	sld [smem:$0x3FA2]  }
0x2a: {  	p0 =	seq.s32 s5, $0x0;
	s5 =	sld [smem:$0x3FA3]  }
0x2b: {  	s6 =	sld [smem:$0x3FA4]  }
0x2c: {  	s7 =	sld [smem:$0x3FA5]  }
0x2d: {  	s3 =	simm.s32 $0x108;
	s8 =	sld [smem:$0x3FA6]  }
0x2e: {  	s3 =	simm.s32 @!p0 $0x1082;
	s9 =	sld [smem:$0x3FA7]  }
0x2f: {  	lr =	sadd.s32 s0, s3;
	s0 =	sld [smem:$0x3F9E]  }
0x30: {  	s3 =	sld [smem:$0x3FA1]  }
0x31: {  	[smem:$0x3FAA] =	sst s10  }
0x32: {  	s10 =	sld [smem:$0x3FA8];
	_ =	sdelay $0x3  }
0x33: {  	p0 =	seq.s32 s10, $0x1;
	s10 =	sld [smem:$0x3FAA];
	_ =	sdelay $0x3  }
0x34: {  	[smem:$0x3FAA] =	sst s10  }
0x35: {  	s10 =	sld [smem:$0x3FA9];
	_ =	sdelay $0x3  }
0x36: {  	p1 =	seq.s32 s10, $0x1;
	s10 =	sld [smem:$0x3FAA];
	_ =	sdelay $0x3  }
0x37: {  	[smem:$0x3FAA] =	sst s10  }
0x38: {  	s10 =	sld [smem:$0x3FAB]  }
0x39: {  	_ = 	snop;
	(pc) =	sbr.ind lr, $3  }
0x3a: {  	_ = 	snop  }
0x3b: {  	_ = 	snop  }
0x3c: {  	p2 =	seq.s32 s10, $0x1;
	s10 =	sld [smem:$0x3FAA]  }
0x3d: {  	_ =	shalt  }
0x3e: {  	_ =	shalt  }
0x3f: {  	_ =	shalt  }
0x40: {  	_ =	shalt  }
0x41: {  	_ =	shalt  }
0x42: {  	_ =	shalt  }
0x43: {  	_ =	shalt  }
0x44: {  	_ =	shalt  }
0x45: {  	_ =	shalt  }
0x46: {  	_ =	shalt  }
0x47: {  	_ =	shalt  }
0x48: {  	_ =	shalt  }
0x49: {  	_ =	shalt  }
0x4a: {  	_ =	shalt  }
0x4b: {  	_ =	shalt  }
0x4c: {  	_ =	shalt  }
0x4d: {  	_ =	shalt  }
0x4e: {  	_ =	shalt  }
0x4f: {  	_ =	shalt  }
0x50: {  	_ =	shalt  }
0x51: {  	_ =	shalt  }
0x52: {  	_ =	shalt  }
0x53: {  	_ =	shalt  }
0x54: {  	_ =	shalt  }
0x55: {  	_ =	shalt  }
0x56: {  	_ =	shalt  }
0x57: {  	_ =	shalt  }
0x58: {  	_ =	shalt  }
0x59: {  	_ =	shalt  }
0x5a: {  	_ =	shalt  }
0x5b: {  	_ =	shalt  }
0x5c: {  	_ =	shalt  }
0x5d: {  	_ =	shalt  }
0x5e: {  	_ =	shalt  }
0x5f: {  	_ =	shalt  }
0x60: {  	_ =	shalt  }
0x61: {  	_ =	shalt  }
0x62: {  	_ =	shalt  }
0x63: {  	_ =	shalt  }
0x64: {  	_ =	shalt  }
0x65: {  	_ =	shalt  }
0x66: {  	_ =	shalt  }
0x67: {  	_ =	shalt  }
0x68: {  	_ =	shalt  }
0x69: {  	_ =	shalt  }
0x6a: {  	_ =	shalt  }
0x6b: {  	_ =	shalt  }
0x6c: {  	_ =	shalt  }
0x6d: {  	_ =	shalt  }
0x6e: {  	_ =	shalt  }
0x6f: {  	_ =	shalt  }
0x70: {  	_ =	shalt  }
0x71: {  	_ =	shalt  }
0x72: {  	_ =	shalt  }
0x73: {  	_ =	shalt  }
0x74: {  	_ =	shalt  }
0x75: {  	_ =	shalt  }
0x76: {  	_ =	shalt  }
0x77: {  	_ =	shalt  }
0x78: {  	_ =	shalt  }
0x79: {  	_ =	shalt  }
0x7a: {  	_ =	shalt  }
0x7b: {  	_ =	shalt  }
0x7c: {  	_ =	shalt  }
0x7d: {  	_ =	shalt  }
0x7e: {  	_ =	shalt  }
0x7f: {  	_ =	shalt  }
0x80: {  	_ =	shalt  }
0x81: {  	_ =	shalt  }
0x82: {  	_ =	shalt  }
0x83: {  	_ =	shalt  }
0x84: {  	_ =	shalt  }
0x85: {  	_ =	shalt  }
0x86: {  	_ =	shalt  }
0x87: {  	_ =	shalt  }
.Lfunc_end0:
.L_simem_size_0:
called_computation_lowered:
.L_overlay_start_0:
0x88: {  	s2 =	sld [smem:$0x3FD9]  }
0x89: {  	s3 =	sld [smem:$0x3FFE];
	_ =	sdelay $0x1  }
0x8a: {  	s1 =	srdreg.scid  }
0x8b: {  	s0 =	sand.u32 $0x1, s1  }
0x8c: {  	s18 =	sshll.u32 s0, $0xA;
	s2 =	sadd.s32 s3, s2  }
0x8d: {  	s2 =	sadd.s32 s2, s18  }
0x8e: {  	[smem:$0x3FB6] =	sst s2  }
0x8f: {  	_ = 	snop  }
0x90: {  	s2 =	sld [smem:$0x3FC9]  }
0x91: {  	s19 =	sld [smem:$0x3FC5]  }
0x92: {  	s4 =	sld [smem:$0x3FD0];
	(tm) =	ssettm $0x1  }
0x93: {  	s5 =	sld [smem:$0x3FFB];
	_ =	sdelay $0x3  }
0x94: {  	_ =	strace s5  }
0x95: {  	s5 =	sld [smem:$0x3FFC];
	_ =	sdelay $0x3  }
0x96: {  	_ =	strace s5  }
0x97: {  	s5 =	sld [smem:$0x3FFD];
	_ =	sdelay $0x3  }
0x98: {  	_ =	strace s5  }
0x99: {  	_ =	strace $0x8FFFFFFF  }
0x9a: {  	s20 =	sld [smem:$0x3FDB];
	_ =	sdelay $0x1  }
0x9b: {  	s6 =	simm.s32 $_scs_section_size  }
0x9c: {  	s7 =	simm.s32 $_size__tile_overlayer_lowered;
	s8 =	simm.s32 $_tile_overlayer_lowered  }
0x9d: {  	s23 =	simm.s32 $0x1BFF;
	s22 =	sshll.u32 s8, $0x1;
	s5 =	sadd.s32 s6, s20  }
0x9e: {  	s9 =	simm.s32 $0x0;
	s21 =	sshll.u32 s7, $0x1;
	s7 =	sadd.s32 s22, s5  }
0x9f: {  	[timem:s9], [sflag:s23] =	dma.local [hbm:s7], s21  }
0xa0: {  	_ =	swait.ge [sflag:s23], s21  }
0xa1: {  	s6 =	ssub.s32 $0x0, s21;
	[sflag:s23] =	ssyncset.done $0x0  }
0xa2: {  	[sflag:s23] =	ssyncadd.s32 s6;
	_ =	sdelay $0x1  }
0xa3: {  	s24 =	simm.s32 $0x1B8B  }
0xa4: {  	_ =	swait.ge [sflag:s24], $0x1  }
0xa5: {  	[sflag:s24] =	ssyncset.done $0x0  }
0xa6: {  	s25 =	simm.s32 $0x1B8E;
	[sflag:s24] =	ssyncadd.s32 $0xFFFFFFFF  }
0xa7: {  	s26 =	simm.s32 $execute0_lowered;
	[smem:$0x3FD2] =	sst s25  }
0xa8: {  	s6 =	sshll.u32 s26, $0x1;
	_ =	strace $0x80000046;
	[dreg:$0x1] =	wrdreg $0xFFFFFFFF  }
0xa9: {  	s28 =	simm.s32 $_size_execute0_lowered;
	s5 =	sadd.s32 s5, s6;
	[dreg:$0x0] =	wrdreg $0x0  }
0xaa: {  	s6 =	sshll.u32 s28, $0x1;
	[dreg:$0x2] =	wrdreg s5  }
0xab: {  	[dreg:$0x3] =	wrdreg s6  }
0xac: {  	[dreg:$0x4] =	wrdreg $0xC0  }
0xad: {  	_ =	task [dreg:s9], $0x5FFFF  }
0xae: {  	[dreg:$0x1] =	wrdreg $0xFFFFFFFF  }
0xaf: {  	[dreg:$0x0] =	wrdreg $0x60  }
0xb0: {  	[dreg:$0x2] =	wrdreg s19  }
0xb1: {  	[dreg:$0x3] =	wrdreg s2  }
0xb2: {  	[dreg:$0x4] =	wrdreg s4  }
0xb3: {  	[dreg:$0x5] =	wrdreg $0x9  }
0xb4: {  	_ =	task.clear_ibuf [dreg:s9], $0x6FFFF;
	_ =	strace $0x90000046  }
0xb5: {  	s29 =	simm.s32 $0x9;
	_ =	strace $0x80000048  }
0xb6: {  	_ =	swait.ge [sflag:s29], $0x1  }
0xb7: {  	[sflag:s29] =	ssyncadd.s32 $0xFFFFFFFF  }
0xb8: {  	_ =	strace $0x90000048  }
0xb9: {  	_ =	sfence  }
0xba: {  	s30 =	sld [smem:$0x0];
	_ =	sdelay $0x2  }
0xbb: {  	s31 =	sshll.u32 s1, $0xD;
	s1 =	sshrl.u32 s1, $0x2  }
0xbc: {  	s3 =	sand.u32 $0x4000, s31;
	s1 =	sadd.s32 s1, s30  }
0xbd: {  	s0 =	sor.u32 s3, s0;
	s1 =	sshll.u32 s1, $0x11  }
0xbe: {  	s0 =	sor.u32 s1, s0  }
0xbf: {  	s0 =	sadd.s32 $0x8F2B, s0  }
0xc0: {  	[sflag:s0] =	ssyncadd.remote.s32 $0x1  }
0xc1: {  	_ =	sfence.sel $0xFFFF  }
0xc2: {  	[dreg:$0x0] =	wrdreg $0xFFFFFFFF;
	(pc) =	sbr.abs _section_cstart, $3  }
0xc3: {  	[dreg:$0x1] =	wrdreg $0xFFFFFFFF  }
0xc4: {  	_ =	task.clear_ibuf [dreg:s9], $0x2FFFF;
	_ =	strace $0x9FFFFFFF  }
0xc5: {  	(tm) =	ssettm $0x7FFFFFFF  }
tec
execute0_lowered:
.L_overlay_start_1:
0x0: {  	(tag) =	ssettag $0x1  }
0x1: {  	s1 =	rddreg [dreg:$0x0];
	s2 =	srdreg.scid  }
0x2: {  	s6 =	rddreg [dreg:$0x1];
	s0 =	stileid.u32;
	s14 =	sand.u32 $0x1, s2  }
0x3: {  	s15 =	rddreg [dreg:$0x2];
	s4 =	sshll.u32 s0, $0x8;
	s5 =	sshll.u32 s14, $0x7  }
0x4: {  	s3 =	simm.s32 $0x0;
	s2 =	rddreg [dreg:$0x3];
	s12 =	sor.u32 s5, s4  }
0x5: {  	[smem:$0x7FF] =	sst s3;
	s4 =	sshrl.u32 s12, $0x3  }
0x6: {  	_ =	strace $0x80000047;
	s5 =	simm.s32 $0x5;
	s4 =	sadd.s32 s6, s4  }
0x7: {  	[tilespmem:s3], [sflag:$0x5] =	stream.linear.gather [hbm4b:s4+s3], $0x40, $0x38;
	[tilespmem:$0x4100] =	vst v63  }
0x8: {  	s16 =	sor.u32 $0x40, s12;
	_ =	swait.ge [sflag:s5], $0x40  }
0x9: {  	s7 =	sshrl.u32 s16, $0x3;
	[sflag:s5] =	ssyncset.done $0x0  }
0xa: {  	s6 =	sadd.s32 s6, s7;
	s7 =	simm.s32 $0x80;
	[sflag:s5] =	ssyncadd.s32 $0xFFFFFFC0  }
0xb: {  	[tilespmem:s7], [sflag:$0x5] =	stream.linear.gather [hbm4b:s6+s3], $0x40, $0x38;
	[tilespmem:$0x4100] =	vst v63  }
0xc: {  	_ =	swait.ge [sflag:s5], $0x40  }
0xd: {  	[sflag:s5] =	ssyncset.done $0x0  }
0xe: {  	s8 =	simm.s32 $0x40;
	s9 =	simm.s32 $0x100;
	[sflag:s5] =	ssyncadd.s32 $0xFFFFFFC0  }
0xf: {  	[tilespmem:s9], [sflag:$0x1] =	stream.indirect.gather [hbm4b:s1+s8], $0x80, s3, s8, $0xb8;
	[tilespmem:$0x4100] =	vst v63  }
0x10: {  	s10 =	simm.s32 $0x2100;
	s11 =	simm.s32 $0x1  }
0x11: {  	[tilespmem:s10], [sflag:$0x2] =	stream.indirect.gather [hbm4b:s1+s8], $0x80, s7, s8, $0xb8;
	[tilespmem:$0x4100] =	vst v63  }
0x12: {  	s13 =	simm.s32 $0x2;
	_ =	swait.ge [sflag:s11], $0x2000  }
0x13: {  	s17 =	ssub.s32 $0x2, s14;
	s12 =	sshll.u32 s12, $0x4;
	[sflag:s11] =	ssyncset.done $0x0  }
0x14: {  	s31 =	sshrl.u32 s17, $0x1;
	s12 =	sadd.s32 s15, s12;
	[sflag:s11] =	ssyncadd.s32 $0xFFFFE000  }
0x15: {  	[hbm4b:s12+s3] =	stream.linear.scatter [tilespmem:s9], [sflag:$0x3], $0x2000, $0x38;
	[tilespmem:$0x4100] =	vst v63  }
0x16: {  	s30 =	sshll.u32 s16, $0x4;
	s16 =	ssub.s32 s17, s31;
	_ =	swait.ge [sflag:s13], $0x2000  }
0x17: {  	s14 =	sadd.s32 s15, s30;
	s17 =	smax.u32 s16, $0x1;
	[sflag:s13] =	ssyncset.done $0x0  }
0x18: {  	s15 =	simm.s32 $0x3;
	p0 =	sne.s32 s17, $0x1;
	[sflag:s13] =	ssyncadd.s32 $0xFFFFE000  }
0x19: {  	[hbm4b:s14+s3] =	stream.linear.scatter [tilespmem:s10], [sflag:$0x4], $0x2000, $0x38;
	[tilespmem:$0x4100] =	vst v63  }
.Ltmp0:
0x1a: {  	_ =	swait.ge [sflag:s15], $0x2000;
	(pc) =	sbr.rel @!p0 .LBB2_2-.Ltmp0, $4  }
0x1b: {  	[sflag:s15] =	ssyncset.done $0x0  }
0x1c: {  	s16 =	simm.s32 $0x4;
	[sflag:s15] =	ssyncadd.s32 $0xFFFFE000  }
0x1d: {  	_ =	swait.ge [sflag:s16], $0x2000  }
0x1e: {  	s17 =	sadd.s32 $0xFFFFFFFF, s17;
	[sflag:s16] =	ssyncset.done $0x0  }
.LBB2_1:
0x1f: {  	p0 =	sne.s32 s17, $0x1;
	s17 =	sadd.s32 $0xFFFFFFFF, s17;
	[sflag:s16] =	ssyncadd.s32 $0xFFFFE000  }
0x20: {  	[tilespmem:s3], [sflag:$0x5] =	stream.linear.gather [hbm4b:s4+s3], $0x40, $0x38;
	[tilespmem:$0x4100] =	vst v63  }
0x21: {  	_ =	swait.ge [sflag:s5], $0x40  }
0x22: {  	[sflag:s5] =	ssyncset.done $0x0  }
0x23: {  	[sflag:s5] =	ssyncadd.s32 $0xFFFFFFC0  }
0x24: {  	[tilespmem:s7], [sflag:$0x5] =	stream.linear.gather [hbm4b:s6+s3], $0x40, $0x38;
	[tilespmem:$0x4100] =	vst v63  }
0x25: {  	_ =	swait.ge [sflag:s5], $0x40  }
0x26: {  	[sflag:s5] =	ssyncset.done $0x0  }
0x27: {  	[sflag:s5] =	ssyncadd.s32 $0xFFFFFFC0  }
0x28: {  	[tilespmem:s9], [sflag:$0x1] =	stream.indirect.gather [hbm4b:s1+s8], $0x80, s3, s8, $0xb8;
	[tilespmem:$0x4100] =	vst v63  }
0x29: {  	_ = 	snop  }
0x2a: {  	[tilespmem:s10], [sflag:$0x2] =	stream.indirect.gather [hbm4b:s1+s8], $0x80, s7, s8, $0xb8;
	[tilespmem:$0x4100] =	vst v63  }
0x2b: {  	_ =	swait.ge [sflag:s11], $0x2000  }
0x2c: {  	[sflag:s11] =	ssyncset.done $0x0  }
0x2d: {  	[sflag:s11] =	ssyncadd.s32 $0xFFFFE000  }
0x2e: {  	[hbm4b:s12+s3] =	stream.linear.scatter [tilespmem:s9], [sflag:$0x3], $0x2000, $0x38;
	[tilespmem:$0x4100] =	vst v63  }
0x2f: {  	_ =	swait.ge [sflag:s13], $0x2000  }
0x30: {  	[sflag:s13] =	ssyncset.done $0x0  }
0x31: {  	[sflag:s13] =	ssyncadd.s32 $0xFFFFE000  }
0x32: {  	[hbm4b:s14+s3] =	stream.linear.scatter [tilespmem:s10], [sflag:$0x4], $0x2000, $0x38;
	[tilespmem:$0x4100] =	vst v63  }
.Ltmp1:
0x33: {  	_ =	swait.ge [sflag:s15], $0x2000;
	(pc) =	sbr.rel @p0 .LBB2_1-.Ltmp1, $4  }
0x34: {  	[sflag:s15] =	ssyncset.done $0x0  }
0x35: {  	[sflag:s15] =	ssyncadd.s32 $0xFFFFE000  }
0x36: {  	_ =	swait.ge [sflag:s16], $0x2000  }
0x37: {  	[sflag:s16] =	ssyncset.done $0x0  }
.LBB2_2:
0x38: {  	[sflag:s16] =	ssyncadd.s32 $0xFFFFE000  }
0x39: {  	_ =	sfence.sel $0x180000  }
0x3a: {  	[bflag:$0x0] =	sbarrier.arrive $0xFFFF  }
0x3b: {  	p0 =	sne.s32 s0, $0x0;
	_ =	strace $0x90000047  }
0x3c: {  	s0 =	sadd.s32 @!p0 $0x100000, s2;
	[bflag:$0x2] =	sbarrier.arrive $0xFFFF  }
0x3d: {  	[sflag:s0] =	ssyncadd.tile.s32 @!p0 $0x1;
	_ =	shalt  }
.Lfunc_end2:
_tile_overlayer_lowered:
.L_overlay_start_2:
0x3e: {  	(tag) =	ssettag $0x2  }
0x3f: {  	s0 =	rddreg [dreg:$0x0];
	s2 =	stileid.u32  }
0x40: {  	s1 =	rddreg [dreg:$0x1];
	p0 =	sne.s32 s2, $0x0  }
0x41: {  	s3 =	rddreg [dreg:$0x2];
	[bflag:$0x3] =	sbarrier.arrive $0xFFFF;
	s2 =	simm.s32 @!p0 $0x1C05  }
0x42: {  	[timem:s3], [sflag:s2] =	dma.local @!p0 [hbm:s0], s1  }
0x43: {  	s0 =	simm.s32 @!p0 $0x5  }
0x44: {  	_ =	swait.ge @!p0 [sflag:s0], s1  }
0x45: {  	s1 =	ssub.s32 @!p0 $0x0, s1;
	[sflag:s0] =	ssyncset.done @!p0 $0x0  }
0x46: {  	[sflag:s0] =	ssyncadd.s32 @!p0 s1  }
0x47: {  	[bflag:$0x3] =	sbarrier.arrive $0xFFFF  }
0x48: {  	_ =	shalt  }

</sc_bundles>
